<compile_context>
chip_gen: v7x
topology: tpu7x:2x2x1
jax: 0.10.2.dev20260603
libtpu: 0.0.44.dev20260713+nightly
codegen_flags: <defaults>
</compile_context>

<pallas_src>
import functools
import jax
import jax.numpy as jnp
from jax import lax
from jax.experimental import pallas as pl
from jax.experimental.pallas import tpu as pltpu
from jax.experimental.pallas import tpu_sc as plsc

NUM_EMB = 8192
DIM = 128
BATCH = 32
SEQ = 8192
B = BATCH * SEQ
NC = 2
NS = 16
NW = NC * NS
LPW = B // NW
CR = 128
N = LPW // CR
NB = 4
ROUNDS = N // NB

_mesh = plsc.VectorSubcoreMesh(core_axis_name="c", subcore_axis_name="s")


@functools.partial(
    pl.kernel,
    mesh=_mesh,
    out_type=jax.ShapeDtypeStruct((B, DIM), jnp.float32),
    scratch_types=[
        pltpu.VMEM((LPW,), jnp.int32),
        pltpu.VMEM((CR, DIM), jnp.float32),
        pltpu.VMEM((CR, DIM), jnp.float32),
        pltpu.VMEM((CR, DIM), jnp.float32),
        pltpu.VMEM((CR, DIM), jnp.float32),
        pltpu.SemaphoreType.DMA,
        pltpu.SemaphoreType.DMA,
        pltpu.SemaphoreType.DMA,
        pltpu.SemaphoreType.DMA,
        pltpu.SemaphoreType.DMA,
        pltpu.SemaphoreType.DMA,
        pltpu.SemaphoreType.DMA,
        pltpu.SemaphoreType.DMA,
    ],
)
def _emb_gather(idx_hbm, table_hbm, out_hbm, idx_v,
                buf0, buf1, buf2, buf3,
                sg0, sg1, sg2, sg3, ss0, ss1, ss2, ss3):
    sid = lax.axis_index("s")
    wid = sid * NC + lax.axis_index("c")
    base = wid * LPW
    bufs = (buf0, buf1, buf2, buf3)
    sgs = (sg0, sg1, sg2, sg3)
    sss = (ss0, ss1, ss2, ss3)

    pltpu.sync_copy(idx_hbm.at[pl.ds(base, LPW)], idx_v)

    def issue_gather(c, b):
        pltpu.async_copy(
            table_hbm.at[idx_v.at[pl.ds(c * CR, CR)]], bufs[b], sgs[b])

    for b in range(NB):
        issue_gather(b, b)

    def body(i, carry):
        for b in range(NB):
            c = i * NB + b
            pltpu.make_async_copy(out_hbm.at[pl.ds(0, CR)], bufs[b],
                                  sgs[b]).wait()
            h = pltpu.async_copy(
                bufs[b], out_hbm.at[pl.ds(base + c * CR, CR)], sss[b])

            @pl.when(c + NB < N)
            def _():
                h.wait()
                issue_gather(c + NB, b)

        return carry

    lax.fori_loop(0, ROUNDS, body, 0)

    for b in range(NB):
        pltpu.make_async_copy(bufs[b], out_hbm.at[pl.ds(0, CR)],
                              sss[b]).wait()


def kernel(position_ids, table):
    idx = position_ids.reshape(B).astype(jnp.int32)
    out = _emb_gather(idx, table)
    return out.reshape(BATCH, SEQ, DIM)

# --- scband reference (transcript-rebuilt; emitter-appended) ---
"""Pipeline reference for scband-positional-embedding-63350767616050 (READ-ONLY COPY).

The authoritative reference and input builder live on the scoring server;
editing this copy changes nothing except your own understanding.
"""

import jax, jax.numpy as jnp
import numpy as np

NUM_EMBEDDINGS = 8192
EMBEDDING_DIM = 128
BATCH = 32
SEQ = 8192

def setup_inputs(seed: int = 0) -> dict:
    key = jax.random.key(seed)
    k_idx, k_tab = jax.random.split(key)
    position_ids = jax.random.randint(k_idx, (BATCH, SEQ), 0, NUM_EMBEDDINGS, dtype=jnp.int64 if jax.config.jax_enable_x64 else jnp.int32)
    table = jax.random.normal(k_tab, (NUM_EMBEDDINGS, EMBEDDING_DIM), dtype=jnp.float32)
    return {"position_ids": position_ids, "table": table}

def reference(position_ids, table):
    # nn.Embedding forward: gather rows of the table by index
    position_embeddings = jnp.take(table, position_ids, axis=0)
    return position_embeddings

if __name__ == "__main__":
    import jax
    _d = setup_inputs()
    print(jax.jit(kernel)(*tuple(_d.values())))

</pallas_src>

<mosaic_0001>
#map = affine_map<(d0, d1) -> (0)>
#map1 = affine_map<(d0, d1) -> (0, 0)>
module attributes {stable_mosaic.version = 14 : i64} {
  func.func @_emb_gather(%arg0: i32, %arg1: i32, %arg2: memref<262144xi32, #tpu.memory_space<hbm>>, %arg3: memref<8192x128xf32, #tpu.memory_space<hbm>>, %arg4: memref<262144x128xf32, #tpu.memory_space<hbm>>, %arg5: memref<8192xi32, #tpu.memory_space<vmem>>, %arg6: memref<128x128xf32, #tpu.memory_space<vmem>>, %arg7: memref<128x128xf32, #tpu.memory_space<vmem>>, %arg8: memref<128x128xf32, #tpu.memory_space<vmem>>, %arg9: memref<128x128xf32, #tpu.memory_space<vmem>>, %arg10: memref<!tpu.dma_semaphore, #tpu.memory_space<semaphore_mem>>, %arg11: memref<!tpu.dma_semaphore, #tpu.memory_space<semaphore_mem>>, %arg12: memref<!tpu.dma_semaphore, #tpu.memory_space<semaphore_mem>>, %arg13: memref<!tpu.dma_semaphore, #tpu.memory_space<semaphore_mem>>, %arg14: memref<!tpu.dma_semaphore, #tpu.memory_space<semaphore_mem>>, %arg15: memref<!tpu.dma_semaphore, #tpu.memory_space<semaphore_mem>>, %arg16: memref<!tpu.dma_semaphore, #tpu.memory_space<semaphore_mem>>, %arg17: memref<!tpu.dma_semaphore, #tpu.memory_space<semaphore_mem>>) attributes {dimension_semantics = [#tpu.dimension_semantics<core_parallel>, #tpu.dimension_semantics<subcore_parallel>], iteration_bounds = array<i64: 2, 16>, scalar_prefetch = 0 : i64, scratch_operands = 13 : i64, tpu.core_type = #tpu.core_type<sc_vector_subcore>, window_params = [{transform_indices = #map}, {transform_indices = #map1}, {transform_indices = #map1}]} {
    %mul3A = arith.constant 2 : i32
    %mul3A_0 = arith.muli %arg1, %mul3A : i32
    %add3A = arith.addi %mul3A_0, %arg0 : i32
    %mul3A_1 = arith.constant 8192 : i32
    %mul3A_2 = arith.muli %add3A, %mul3A_1 : i32
    "tpu.region"() ({
      %run_scoped3A = tpu.sem_alloc : memref<!tpu.dma_semaphore, #tpu.memory_space<semaphore_mem>>
      %dma_start3A_50 = tpu.memref_slice %arg2[%mul3A_2] : memref<262144xi32, #tpu.memory_space<hbm>> -> memref<8192xi32, #tpu.memory_space<hbm>>
      %dma_start3A_51 = tpu.memref_slice %arg2[%mul3A_2] : memref<262144xi32, #tpu.memory_space<hbm>> -> memref<8192xi32, #tpu.memory_space<hbm>>
      tpu.enqueue_dma source(%dma_start3A_51 : memref<8192xi32, #tpu.memory_space<hbm>>) target(%arg5 : memref<8192xi32, #tpu.memory_space<vmem>>) target_semaphore(%run_scoped3A : memref<!tpu.dma_semaphore, #tpu.memory_space<semaphore_mem>>)
      %dma_wait3A_52 = tpu.memref_slice %arg2[%mul3A_2] : memref<262144xi32, #tpu.memory_space<hbm>> -> memref<8192xi32, #tpu.memory_space<hbm>>
      %dma_wait3A_53 = tpu.memref_slice %arg2[%mul3A_2] : memref<262144xi32, #tpu.memory_space<hbm>> -> memref<8192xi32, #tpu.memory_space<hbm>>
      tpu.wait_dma2 semaphore(%run_scoped3A : memref<!tpu.dma_semaphore, #tpu.memory_space<semaphore_mem>>) src(%dma_wait3A_53 : memref<8192xi32, #tpu.memory_space<hbm>>) dst(%arg5 : memref<8192xi32, #tpu.memory_space<vmem>>)
      tpu.yield
    }) : () -> ()
    %dma_start3A = arith.constant 0 : i32
    %dma_start3A_3 = tpu.memref_slice %arg5[%dma_start3A] : memref<8192xi32, #tpu.memory_space<vmem>> -> memref<128xi32, #tpu.memory_space<vmem>>
    %dma_start3A_4 = arith.constant 0 : i32
    %dma_start3A_5 = arith.constant 0 : i32
    %dma_start3A_6 = tpu.memref_slice %arg3[%dma_start3A_4, %dma_start3A_5] : memref<8192x128xf32, #tpu.memory_space<hbm>> -> memref<8192x128xf32, #tpu.memory_space<hbm>>
    tpu.enqueue_indirect_dma source(%dma_start3A_6 : memref<8192x128xf32, #tpu.memory_space<hbm>>) target(%arg6 : memref<128x128xf32, #tpu.memory_space<vmem>>) offsets(%dma_start3A_3 : memref<128xi32, #tpu.memory_space<vmem>>) semaphore(%arg10 : memref<!tpu.dma_semaphore, #tpu.memory_space<semaphore_mem>>)
    %dma_start3A_7 = arith.constant 128 : i32
    %dma_start3A_8 = tpu.memref_slice %arg5[%dma_start3A_7] : memref<8192xi32, #tpu.memory_space<vmem>> -> memref<128xi32, #tpu.memory_space<vmem>>
    %dma_start3A_9 = arith.constant 0 : i32
    %dma_start3A_10 = arith.constant 0 : i32
    %dma_start3A_11 = tpu.memref_slice %arg3[%dma_start3A_9, %dma_start3A_10] : memref<8192x128xf32, #tpu.memory_space<hbm>> -> memref<8192x128xf32, #tpu.memory_space<hbm>>
    tpu.enqueue_indirect_dma source(%dma_start3A_11 : memref<8192x128xf32, #tpu.memory_space<hbm>>) target(%arg7 : memref<128x128xf32, #tpu.memory_space<vmem>>) offsets(%dma_start3A_8 : memref<128xi32, #tpu.memory_space<vmem>>) semaphore(%arg11 : memref<!tpu.dma_semaphore, #tpu.memory_space<semaphore_mem>>)
    %dma_start3A_12 = arith.constant 256 : i32
    %dma_start3A_13 = tpu.memref_slice %arg5[%dma_start3A_12] : memref<8192xi32, #tpu.memory_space<vmem>> -> memref<128xi32, #tpu.memory_space<vmem>>
    %dma_start3A_14 = arith.constant 0 : i32
    %dma_start3A_15 = arith.constant 0 : i32
    %dma_start3A_16 = tpu.memref_slice %arg3[%dma_start3A_14, %dma_start3A_15] : memref<8192x128xf32, #tpu.memory_space<hbm>> -> memref<8192x128xf32, #tpu.memory_space<hbm>>
    tpu.enqueue_indirect_dma source(%dma_start3A_16 : memref<8192x128xf32, #tpu.memory_space<hbm>>) target(%arg8 : memref<128x128xf32, #tpu.memory_space<vmem>>) offsets(%dma_start3A_13 : memref<128xi32, #tpu.memory_space<vmem>>) semaphore(%arg12 : memref<!tpu.dma_semaphore, #tpu.memory_space<semaphore_mem>>)
    %dma_start3A_17 = arith.constant 384 : i32
    %dma_start3A_18 = tpu.memref_slice %arg5[%dma_start3A_17] : memref<8192xi32, #tpu.memory_space<vmem>> -> memref<128xi32, #tpu.memory_space<vmem>>
    %dma_start3A_19 = arith.constant 0 : i32
    %dma_start3A_20 = arith.constant 0 : i32
    %dma_start3A_21 = tpu.memref_slice %arg3[%dma_start3A_19, %dma_start3A_20] : memref<8192x128xf32, #tpu.memory_space<hbm>> -> memref<8192x128xf32, #tpu.memory_space<hbm>>
    tpu.enqueue_indirect_dma source(%dma_start3A_21 : memref<8192x128xf32, #tpu.memory_space<hbm>>) target(%arg9 : memref<128x128xf32, #tpu.memory_space<vmem>>) offsets(%dma_start3A_18 : memref<128xi32, #tpu.memory_space<vmem>>) semaphore(%arg13 : memref<!tpu.dma_semaphore, #tpu.memory_space<semaphore_mem>>)
    %scan3A = arith.constant 0 : i32
    %scan3A_22 = arith.constant 0 : i32
    %scan3A_23 = arith.constant 16 : i32
    %scan3A_24 = arith.addi %scan3A_22, %scan3A_23 : i32
    %scan3A_25 = arith.constant 1 : i32
    scf.for %scan3A_50 = %scan3A_22 to %scan3A_24 step %scan3A_25  : i32 {
      %mul3A_51 = arith.constant 4 : i32
      %mul3A_52 = arith.muli %scan3A_50, %mul3A_51 : i32
      %add3A_53 = arith.constant 0 : i32
      %add3A_54 = arith.addi %mul3A_52, %add3A_53 : i32
      %dma_wait3A_55 = arith.constant 0 : i32
      %dma_wait3A_56 = arith.constant 0 : i32
      %dma_wait3A_57 = tpu.memref_slice %arg4[%dma_wait3A_55, %dma_wait3A_56] : memref<262144x128xf32, #tpu.memory_space<hbm>> -> memref<128x128xf32, #tpu.memory_space<hbm>>
      %dma_wait3A_58 = arith.constant 0 : i32
      %dma_wait3A_59 = arith.constant 0 : i32
      %dma_wait3A_60 = tpu.memref_slice %arg4[%dma_wait3A_58, %dma_wait3A_59] : memref<262144x128xf32, #tpu.memory_space<hbm>> -> memref<128x128xf32, #tpu.memory_space<hbm>>
      tpu.wait_dma2 semaphore(%arg10 : memref<!tpu.dma_semaphore, #tpu.memory_space<semaphore_mem>>) src(%dma_wait3A_60 : memref<128x128xf32, #tpu.memory_space<hbm>>) dst(%arg6 : memref<128x128xf32, #tpu.memory_space<vmem>>)
      %mul3A_61 = arith.constant 128 : i32
      %mul3A_62 = arith.muli %add3A_54, %mul3A_61 : i32
      %add3A_63 = arith.addi %mul3A_2, %mul3A_62 : i32
      %dma_start3A_64 = arith.constant 0 : i32
      %dma_start3A_65 = tpu.memref_slice %arg4[%add3A_63, %dma_start3A_64] : memref<262144x128xf32, #tpu.memory_space<hbm>> -> memref<128x128xf32, #tpu.memory_space<hbm>>
      %dma_start3A_66 = arith.constant 0 : i32
      %dma_start3A_67 = tpu.memref_slice %arg4[%add3A_63, %dma_start3A_66] : memref<262144x128xf32, #tpu.memory_space<hbm>> -> memref<128x128xf32, #tpu.memory_space<hbm>>
      tpu.enqueue_dma source(%arg6 : memref<128x128xf32, #tpu.memory_space<vmem>>) target(%dma_start3A_67 : memref<128x128xf32, #tpu.memory_space<hbm>>) target_semaphore(%arg14 : memref<!tpu.dma_semaphore, #tpu.memory_space<semaphore_mem>>)
      %add3A_68 = arith.constant 4 : i32
      %add3A_69 = arith.addi %add3A_54, %add3A_68 : i32
      %lt3A = arith.constant 64 : i32
      %lt3A_70 = arith.cmpi slt, %add3A_69, %lt3A : i32
      %convert_element_type3A = arith.extui %lt3A_70 : i1 to i32
      %cond3A = arith.constant 0 : i32
      %cond3A_71 = arith.cmpi ne, %convert_element_type3A, %cond3A : i32
      scf.if %cond3A_71 {
        %dma_wait3A_144 = arith.constant 0 : i32
        %dma_wait3A_145 = tpu.memref_slice %arg4[%add3A_63, %dma_wait3A_144] : memref<262144x128xf32, #tpu.memory_space<hbm>> -> memref<128x128xf32, #tpu.memory_space<hbm>>
        %dma_wait3A_146 = arith.constant 0 : i32
        %dma_wait3A_147 = tpu.memref_slice %arg4[%add3A_63, %dma_wait3A_146] : memref<262144x128xf32, #tpu.memory_space<hbm>> -> memref<128x128xf32, #tpu.memory_space<hbm>>
        tpu.wait_dma2 semaphore(%arg14 : memref<!tpu.dma_semaphore, #tpu.memory_space<semaphore_mem>>) src(%arg6 : memref<128x128xf32, #tpu.memory_space<vmem>>) dst(%dma_wait3A_147 : memref<128x128xf32, #tpu.memory_space<hbm>>)
        %add3A_148 = arith.constant 4 : i32
        %add3A_149 = arith.addi %add3A_54, %add3A_148 : i32
        %mul3A_150 = arith.constant 128 : i32
        %mul3A_151 = arith.muli %add3A_149, %mul3A_150 : i32
        %dma_start3A_152 = tpu.memref_slice %arg5[%mul3A_151] : memref<8192xi32, #tpu.memory_space<vmem>> -> memref<128xi32, #tpu.memory_space<vmem>>
        %dma_start3A_153 = arith.constant 0 : i32
        %dma_start3A_154 = arith.constant 0 : i32
        %dma_start3A_155 = tpu.memref_slice %arg3[%dma_start3A_153, %dma_start3A_154] : memref<8192x128xf32, #tpu.memory_space<hbm>> -> memref<8192x128xf32, #tpu.memory_space<hbm>>
        tpu.enqueue_indirect_dma source(%dma_start3A_155 : memref<8192x128xf32, #tpu.memory_space<hbm>>) target(%arg6 : memref<128x128xf32, #tpu.memory_space<vmem>>) offsets(%dma_start3A_152 : memref<128xi32, #tpu.memory_space<vmem>>) semaphore(%arg10 : memref<!tpu.dma_semaphore, #tpu.memory_space<semaphore_mem>>)
      } else {
      }
      %mul3A_72 = arith.constant 4 : i32
      %mul3A_73 = arith.muli %scan3A_50, %mul3A_72 : i32
      %add3A_74 = arith.constant 1 : i32
      %add3A_75 = arith.addi %mul3A_73, %add3A_74 : i32
      %dma_wait3A_76 = arith.constant 0 : i32
      %dma_wait3A_77 = arith.constant 0 : i32
      %dma_wait3A_78 = tpu.memref_slice %arg4[%dma_wait3A_76, %dma_wait3A_77] : memref<262144x128xf32, #tpu.memory_space<hbm>> -> memref<128x128xf32, #tpu.memory_space<hbm>>
      %dma_wait3A_79 = arith.constant 0 : i32
      %dma_wait3A_80 = arith.constant 0 : i32
      %dma_wait3A_81 = tpu.memref_slice %arg4[%dma_wait3A_79, %dma_wait3A_80] : memref<262144x128xf32, #tpu.memory_space<hbm>> -> memref<128x128xf32, #tpu.memory_space<hbm>>
      tpu.wait_dma2 semaphore(%arg11 : memref<!tpu.dma_semaphore, #tpu.memory_space<semaphore_mem>>) src(%dma_wait3A_81 : memref<128x128xf32, #tpu.memory_space<hbm>>) dst(%arg7 : memref<128x128xf32, #tpu.memory_space<vmem>>)
      %mul3A_82 = arith.constant 128 : i32
      %mul3A_83 = arith.muli %add3A_75, %mul3A_82 : i32
      %add3A_84 = arith.addi %mul3A_2, %mul3A_83 : i32
      %dma_start3A_85 = arith.constant 0 : i32
      %dma_start3A_86 = tpu.memref_slice %arg4[%add3A_84, %dma_start3A_85] : memref<262144x128xf32, #tpu.memory_space<hbm>> -> memref<128x128xf32, #tpu.memory_space<hbm>>
      %dma_start3A_87 = arith.constant 0 : i32
      %dma_start3A_88 = tpu.memref_slice %arg4[%add3A_84, %dma_start3A_87] : memref<262144x128xf32, #tpu.memory_space<hbm>> -> memref<128x128xf32, #tpu.memory_space<hbm>>
      tpu.enqueue_dma source(%arg7 : memref<128x128xf32, #tpu.memory_space<vmem>>) target(%dma_start3A_88 : memref<128x128xf32, #tpu.memory_space<hbm>>) target_semaphore(%arg15 : memref<!tpu.dma_semaphore, #tpu.memory_space<semaphore_mem>>)
      %add3A_89 = arith.constant 4 : i32
      %add3A_90 = arith.addi %add3A_75, %add3A_89 : i32
      %lt3A_91 = arith.constant 64 : i32
      %lt3A_92 = arith.cmpi slt, %add3A_90, %lt3A_91 : i32
      %convert_element_type3A_93 = arith.extui %lt3A_92 : i1 to i32
      %cond3A_94 = arith.constant 0 : i32
      %cond3A_95 = arith.cmpi ne, %convert_element_type3A_93, %cond3A_94 : i32
      scf.if %cond3A_95 {
        %dma_wait3A_144 = arith.constant 0 : i32
        %dma_wait3A_145 = tpu.memref_slice %arg4[%add3A_84, %dma_wait3A_144] : memref<262144x128xf32, #tpu.memory_space<hbm>> -> memref<128x128xf32, #tpu.memory_space<hbm>>
        %dma_wait3A_146 = arith.constant 0 : i32
        %dma_wait3A_147 = tpu.memref_slice %arg4[%add3A_84, %dma_wait3A_146] : memref<262144x128xf32, #tpu.memory_space<hbm>> -> memref<128x128xf32, #tpu.memory_space<hbm>>
        tpu.wait_dma2 semaphore(%arg15 : memref<!tpu.dma_semaphore, #tpu.memory_space<semaphore_mem>>) src(%arg7 : memref<128x128xf32, #tpu.memory_space<vmem>>) dst(%dma_wait3A_147 : memref<128x128xf32, #tpu.memory_space<hbm>>)
        %add3A_148 = arith.constant 4 : i32
        %add3A_149 = arith.addi %add3A_75, %add3A_148 : i32
        %mul3A_150 = arith.constant 128 : i32
        %mul3A_151 = arith.muli %add3A_149, %mul3A_150 : i32
        %dma_start3A_152 = tpu.memref_slice %arg5[%mul3A_151] : memref<8192xi32, #tpu.memory_space<vmem>> -> memref<128xi32, #tpu.memory_space<vmem>>
        %dma_start3A_153 = arith.constant 0 : i32
        %dma_start3A_154 = arith.constant 0 : i32
        %dma_start3A_155 = tpu.memref_slice %arg3[%dma_start3A_153, %dma_start3A_154] : memref<8192x128xf32, #tpu.memory_space<hbm>> -> memref<8192x128xf32, #tpu.memory_space<hbm>>
        tpu.enqueue_indirect_dma source(%dma_start3A_155 : memref<8192x128xf32, #tpu.memory_space<hbm>>) target(%arg7 : memref<128x128xf32, #tpu.memory_space<vmem>>) offsets(%dma_start3A_152 : memref<128xi32, #tpu.memory_space<vmem>>) semaphore(%arg11 : memref<!tpu.dma_semaphore, #tpu.memory_space<semaphore_mem>>)
      } else {
      }
      %mul3A_96 = arith.constant 4 : i32
      %mul3A_97 = arith.muli %scan3A_50, %mul3A_96 : i32
      %add3A_98 = arith.constant 2 : i32
      %add3A_99 = arith.addi %mul3A_97, %add3A_98 : i32
      %dma_wait3A_100 = arith.constant 0 : i32
      %dma_wait3A_101 = arith.constant 0 : i32
      %dma_wait3A_102 = tpu.memref_slice %arg4[%dma_wait3A_100, %dma_wait3A_101] : memref<262144x128xf32, #tpu.memory_space<hbm>> -> memref<128x128xf32, #tpu.memory_space<hbm>>
      %dma_wait3A_103 = arith.constant 0 : i32
      %dma_wait3A_104 = arith.constant 0 : i32
      %dma_wait3A_105 = tpu.memref_slice %arg4[%dma_wait3A_103, %dma_wait3A_104] : memref<262144x128xf32, #tpu.memory_space<hbm>> -> memref<128x128xf32, #tpu.memory_space<hbm>>
      tpu.wait_dma2 semaphore(%arg12 : memref<!tpu.dma_semaphore, #tpu.memory_space<semaphore_mem>>) src(%dma_wait3A_105 : memref<128x128xf32, #tpu.memory_space<hbm>>) dst(%arg8 : memref<128x128xf32, #tpu.memory_space<vmem>>)
      %mul3A_106 = arith.constant 128 : i32
      %mul3A_107 = arith.muli %add3A_99, %mul3A_106 : i32
      %add3A_108 = arith.addi %mul3A_2, %mul3A_107 : i32
      %dma_start3A_109 = arith.constant 0 : i32
      %dma_start3A_110 = tpu.memref_slice %arg4[%add3A_108, %dma_start3A_109] : memref<262144x128xf32, #tpu.memory_space<hbm>> -> memref<128x128xf32, #tpu.memory_space<hbm>>
      %dma_start3A_111 = arith.constant 0 : i32
      %dma_start3A_112 = tpu.memref_slice %arg4[%add3A_108, %dma_start3A_111] : memref<262144x128xf32, #tpu.memory_space<hbm>> -> memref<128x128xf32, #tpu.memory_space<hbm>>
      tpu.enqueue_dma source(%arg8 : memref<128x128xf32, #tpu.memory_space<vmem>>) target(%dma_start3A_112 : memref<128x128xf32, #tpu.memory_space<hbm>>) target_semaphore(%arg16 : memref<!tpu.dma_semaphore, #tpu.memory_space<semaphore_mem>>)
      %add3A_113 = arith.constant 4 : i32
      %add3A_114 = arith.addi %add3A_99, %add3A_113 : i32
      %lt3A_115 = arith.constant 64 : i32
      %lt3A_116 = arith.cmpi slt, %add3A_114, %lt3A_115 : i32
      %convert_element_type3A_117 = arith.extui %lt3A_116 : i1 to i32
      %cond3A_118 = arith.constant 0 : i32
      %cond3A_119 = arith.cmpi ne, %convert_element_type3A_117, %cond3A_118 : i32
      scf.if %cond3A_119 {
        %dma_wait3A_144 = arith.constant 0 : i32
        %dma_wait3A_145 = tpu.memref_slice %arg4[%add3A_108, %dma_wait3A_144] : memref<262144x128xf32, #tpu.memory_space<hbm>> -> memref<128x128xf32, #tpu.memory_space<hbm>>
        %dma_wait3A_146 = arith.constant 0 : i32
        %dma_wait3A_147 = tpu.memref_slice %arg4[%add3A_108, %dma_wait3A_146] : memref<262144x128xf32, #tpu.memory_space<hbm>> -> memref<128x128xf32, #tpu.memory_space<hbm>>
        tpu.wait_dma2 semaphore(%arg16 : memref<!tpu.dma_semaphore, #tpu.memory_space<semaphore_mem>>) src(%arg8 : memref<128x128xf32, #tpu.memory_space<vmem>>) dst(%dma_wait3A_147 : memref<128x128xf32, #tpu.memory_space<hbm>>)
        %add3A_148 = arith.constant 4 : i32
        %add3A_149 = arith.addi %add3A_99, %add3A_148 : i32
        %mul3A_150 = arith.constant 128 : i32
        %mul3A_151 = arith.muli %add3A_149, %mul3A_150 : i32
        %dma_start3A_152 = tpu.memref_slice %arg5[%mul3A_151] : memref<8192xi32, #tpu.memory_space<vmem>> -> memref<128xi32, #tpu.memory_space<vmem>>
        %dma_start3A_153 = arith.constant 0 : i32
        %dma_start3A_154 = arith.constant 0 : i32
        %dma_start3A_155 = tpu.memref_slice %arg3[%dma_start3A_153, %dma_start3A_154] : memref<8192x128xf32, #tpu.memory_space<hbm>> -> memref<8192x128xf32, #tpu.memory_space<hbm>>
        tpu.enqueue_indirect_dma source(%dma_start3A_155 : memref<8192x128xf32, #tpu.memory_space<hbm>>) target(%arg8 : memref<128x128xf32, #tpu.memory_space<vmem>>) offsets(%dma_start3A_152 : memref<128xi32, #tpu.memory_space<vmem>>) semaphore(%arg12 : memref<!tpu.dma_semaphore, #tpu.memory_space<semaphore_mem>>)
      } else {
      }
      %mul3A_120 = arith.constant 4 : i32
      %mul3A_121 = arith.muli %scan3A_50, %mul3A_120 : i32
      %add3A_122 = arith.constant 3 : i32
      %add3A_123 = arith.addi %mul3A_121, %add3A_122 : i32
      %dma_wait3A_124 = arith.constant 0 : i32
      %dma_wait3A_125 = arith.constant 0 : i32
      %dma_wait3A_126 = tpu.memref_slice %arg4[%dma_wait3A_124, %dma_wait3A_125] : memref<262144x128xf32, #tpu.memory_space<hbm>> -> memref<128x128xf32, #tpu.memory_space<hbm>>
      %dma_wait3A_127 = arith.constant 0 : i32
      %dma_wait3A_128 = arith.constant 0 : i32
      %dma_wait3A_129 = tpu.memref_slice %arg4[%dma_wait3A_127, %dma_wait3A_128] : memref<262144x128xf32, #tpu.memory_space<hbm>> -> memref<128x128xf32, #tpu.memory_space<hbm>>
      tpu.wait_dma2 semaphore(%arg13 : memref<!tpu.dma_semaphore, #tpu.memory_space<semaphore_mem>>) src(%dma_wait3A_129 : memref<128x128xf32, #tpu.memory_space<hbm>>) dst(%arg9 : memref<128x128xf32, #tpu.memory_space<vmem>>)
      %mul3A_130 = arith.constant 128 : i32
      %mul3A_131 = arith.muli %add3A_123, %mul3A_130 : i32
      %add3A_132 = arith.addi %mul3A_2, %mul3A_131 : i32
      %dma_start3A_133 = arith.constant 0 : i32
      %dma_start3A_134 = tpu.memref_slice %arg4[%add3A_132, %dma_start3A_133] : memref<262144x128xf32, #tpu.memory_space<hbm>> -> memref<128x128xf32, #tpu.memory_space<hbm>>
      %dma_start3A_135 = arith.constant 0 : i32
      %dma_start3A_136 = tpu.memref_slice %arg4[%add3A_132, %dma_start3A_135] : memref<262144x128xf32, #tpu.memory_space<hbm>> -> memref<128x128xf32, #tpu.memory_space<hbm>>
      tpu.enqueue_dma source(%arg9 : memref<128x128xf32, #tpu.memory_space<vmem>>) target(%dma_start3A_136 : memref<128x128xf32, #tpu.memory_space<hbm>>) target_semaphore(%arg17 : memref<!tpu.dma_semaphore, #tpu.memory_space<semaphore_mem>>)
      %add3A_137 = arith.constant 4 : i32
      %add3A_138 = arith.addi %add3A_123, %add3A_137 : i32
      %lt3A_139 = arith.constant 64 : i32
      %lt3A_140 = arith.cmpi slt, %add3A_138, %lt3A_139 : i32
      %convert_element_type3A_141 = arith.extui %lt3A_140 : i1 to i32
      %cond3A_142 = arith.constant 0 : i32
      %cond3A_143 = arith.cmpi ne, %convert_element_type3A_141, %cond3A_142 : i32
      scf.if %cond3A_143 {
        %dma_wait3A_144 = arith.constant 0 : i32
        %dma_wait3A_145 = tpu.memref_slice %arg4[%add3A_132, %dma_wait3A_144] : memref<262144x128xf32, #tpu.memory_space<hbm>> -> memref<128x128xf32, #tpu.memory_space<hbm>>
        %dma_wait3A_146 = arith.constant 0 : i32
        %dma_wait3A_147 = tpu.memref_slice %arg4[%add3A_132, %dma_wait3A_146] : memref<262144x128xf32, #tpu.memory_space<hbm>> -> memref<128x128xf32, #tpu.memory_space<hbm>>
        tpu.wait_dma2 semaphore(%arg17 : memref<!tpu.dma_semaphore, #tpu.memory_space<semaphore_mem>>) src(%arg9 : memref<128x128xf32, #tpu.memory_space<vmem>>) dst(%dma_wait3A_147 : memref<128x128xf32, #tpu.memory_space<hbm>>)
        %add3A_148 = arith.constant 4 : i32
        %add3A_149 = arith.addi %add3A_123, %add3A_148 : i32
        %mul3A_150 = arith.constant 128 : i32
        %mul3A_151 = arith.muli %add3A_149, %mul3A_150 : i32
        %dma_start3A_152 = tpu.memref_slice %arg5[%mul3A_151] : memref<8192xi32, #tpu.memory_space<vmem>> -> memref<128xi32, #tpu.memory_space<vmem>>
        %dma_start3A_153 = arith.constant 0 : i32
        %dma_start3A_154 = arith.constant 0 : i32
        %dma_start3A_155 = tpu.memref_slice %arg3[%dma_start3A_153, %dma_start3A_154] : memref<8192x128xf32, #tpu.memory_space<hbm>> -> memref<8192x128xf32, #tpu.memory_space<hbm>>
        tpu.enqueue_indirect_dma source(%dma_start3A_155 : memref<8192x128xf32, #tpu.memory_space<hbm>>) target(%arg9 : memref<128x128xf32, #tpu.memory_space<vmem>>) offsets(%dma_start3A_152 : memref<128xi32, #tpu.memory_space<vmem>>) semaphore(%arg13 : memref<!tpu.dma_semaphore, #tpu.memory_space<semaphore_mem>>)
      } else {
      }
    }
    %scan3A_26 = arith.constant 16 : i32
    %dma_wait3A = arith.constant 0 : i32
    %dma_wait3A_27 = arith.constant 0 : i32
    %dma_wait3A_28 = tpu.memref_slice %arg4[%dma_wait3A, %dma_wait3A_27] : memref<262144x128xf32, #tpu.memory_space<hbm>> -> memref<128x128xf32, #tpu.memory_space<hbm>>
    %dma_wait3A_29 = arith.constant 0 : i32
    %dma_wait3A_30 = arith.constant 0 : i32
    %dma_wait3A_31 = tpu.memref_slice %arg4[%dma_wait3A_29, %dma_wait3A_30] : memref<262144x128xf32, #tpu.memory_space<hbm>> -> memref<128x128xf32, #tpu.memory_space<hbm>>
    tpu.wait_dma2 semaphore(%arg14 : memref<!tpu.dma_semaphore, #tpu.memory_space<semaphore_mem>>) src(%arg6 : memref<128x128xf32, #tpu.memory_space<vmem>>) dst(%dma_wait3A_31 : memref<128x128xf32, #tpu.memory_space<hbm>>)
    %dma_wait3A_32 = arith.constant 0 : i32
    %dma_wait3A_33 = arith.constant 0 : i32
    %dma_wait3A_34 = tpu.memref_slice %arg4[%dma_wait3A_32, %dma_wait3A_33] : memref<262144x128xf32, #tpu.memory_space<hbm>> -> memref<128x128xf32, #tpu.memory_space<hbm>>
    %dma_wait3A_35 = arith.constant 0 : i32
    %dma_wait3A_36 = arith.constant 0 : i32
    %dma_wait3A_37 = tpu.memref_slice %arg4[%dma_wait3A_35, %dma_wait3A_36] : memref<262144x128xf32, #tpu.memory_space<hbm>> -> memref<128x128xf32, #tpu.memory_space<hbm>>
    tpu.wait_dma2 semaphore(%arg15 : memref<!tpu.dma_semaphore, #tpu.memory_space<semaphore_mem>>) src(%arg7 : memref<128x128xf32, #tpu.memory_space<vmem>>) dst(%dma_wait3A_37 : memref<128x128xf32, #tpu.memory_space<hbm>>)
    %dma_wait3A_38 = arith.constant 0 : i32
    %dma_wait3A_39 = arith.constant 0 : i32
    %dma_wait3A_40 = tpu.memref_slice %arg4[%dma_wait3A_38, %dma_wait3A_39] : memref<262144x128xf32, #tpu.memory_space<hbm>> -> memref<128x128xf32, #tpu.memory_space<hbm>>
    %dma_wait3A_41 = arith.constant 0 : i32
    %dma_wait3A_42 = arith.constant 0 : i32
    %dma_wait3A_43 = tpu.memref_slice %arg4[%dma_wait3A_41, %dma_wait3A_42] : memref<262144x128xf32, #tpu.memory_space<hbm>> -> memref<128x128xf32, #tpu.memory_space<hbm>>
    tpu.wait_dma2 semaphore(%arg16 : memref<!tpu.dma_semaphore, #tpu.memory_space<semaphore_mem>>) src(%arg8 : memref<128x128xf32, #tpu.memory_space<vmem>>) dst(%dma_wait3A_43 : memref<128x128xf32, #tpu.memory_space<hbm>>)
    %dma_wait3A_44 = arith.constant 0 : i32
    %dma_wait3A_45 = arith.constant 0 : i32
    %dma_wait3A_46 = tpu.memref_slice %arg4[%dma_wait3A_44, %dma_wait3A_45] : memref<262144x128xf32, #tpu.memory_space<hbm>> -> memref<128x128xf32, #tpu.memory_space<hbm>>
    %dma_wait3A_47 = arith.constant 0 : i32
    %dma_wait3A_48 = arith.constant 0 : i32
    %dma_wait3A_49 = tpu.memref_slice %arg4[%dma_wait3A_47, %dma_wait3A_48] : memref<262144x128xf32, #tpu.memory_space<hbm>> -> memref<128x128xf32, #tpu.memory_space<hbm>>
    tpu.wait_dma2 semaphore(%arg17 : memref<!tpu.dma_semaphore, #tpu.memory_space<semaphore_mem>>) src(%arg9 : memref<128x128xf32, #tpu.memory_space<vmem>>) dst(%dma_wait3A_49 : memref<128x128xf32, #tpu.memory_space<hbm>>)
    return
  }
}

</mosaic_0001>

<sc_bundles>
// kernel: kernel.3.cloned.1.call-start
scs
__scs_entry_jumppad:
0x0: {  	(pc) =	sbr.rel $0x88, $3  }
0x1: {  	(tag) =	ssettag $0x0;
	lr =	simm.s32 $0x1  }
0x2: {  	[smem:$0x3F9F] =	sst lr;
	_ =	strace $0xD0000000  }
0x3: {  	_ = 	snop  }
0x4: {  	_ = 	snop  }
0x5: {  	_ = 	snop  }
0x6: {  	_ = 	snop  }
0x7: {  	_ = 	snop  }
__scs_overlays_trampoline_lowered:
0x8: {  	[smem:$0x3FAE] =	sst s0  }
0x9: {  	[smem:$0x3FAF] =	sst s1  }
0xa: {  	[smem:$0x3FB0] =	sst s2  }
0xb: {  	[smem:$0x3FB1] =	sst s3  }
0xc: {  	[smem:$0x3FB2] =	sst s4  }
0xd: {  	[smem:$0x3FB3] =	sst s5  }
0xe: {  	[smem:$0x3FB4] =	sst s6  }
0xf: {  	[smem:$0x3FB5] =	sst s7  }
0x10: {  	[smem:$0x3FB6] =	sst s8  }
0x11: {  	[smem:$0x3FB7] =	sst s9;
	s0 =	simm.s32 @!p0 $0x0  }
0x12: {  	s1 =	sld [smem:$0x3F9D];
	s0 =	simm.s32 @p0 $0x1  }
0x13: {  	[smem:$0x3FB8] =	sst s0;
	s0 =	simm.s32 @!p1 $0x0  }
0x14: {  	s2 =	sld [smem:$0x3F9C];
	s0 =	simm.s32 @p1 $0x1  }
0x15: {  	[smem:$0x3FB9] =	sst s0;
	s0 =	simm.s32 @!p2 $0x0  }
0x16: {  	s3 =	sld [smem:$0x3FDB];
	s0 =	simm.s32 @p2 $0x1  }
0x17: {  	s4 =	simm.s32 $0x1BF5;
	[smem:$0x3FBB] =	sst s0  }
0x18: {  	s0 =	sld [smem:$0x3F9E];
	_ =	swait.ge [sflag:s4], $0x0  }
0x19: {  	s7 =	sld [smem:$0x3F9F]  }
0x1a: {  	s8 =	sadd.s32 $0xFFFFE003, lr  }
0x1b: {  	s9 =	sadd.s32 $0xFFFFFEF7, lr;
	s5 =	simm.s32 $0xFFFFFFFF;
	p2 =	slt.u32 s8, $0xFFFFF086  }
0x1c: {  	p1 =	slt.u32 s9, $0xF7A;
	s5 =	simm.s32 @!p2 $0x0  }
0x1d: {  	s5 =	simm.s32 @p1 $0x1;
	p0 =	seq.s32 s7, s2  }
0x1e: {  	s7 =	smul.u32 @!p0 $0xF7A, s2;
	p2 =	seq.s32 @!p0 s5, $0x0  }
0x1f: {  	s9 =	smul.u32 $0xF7A, s1;
	s8 =	simm.s32 @!p0 $0x1BF5;
	p2 =	por !p2, p0  }
0x20: {  	[sflag:s8] =	ssyncset.s32 @!p0 $0xFFFFF086;
	s6 =	sadd.s32 @!p0 s3, s7;
	s7 =	simm.s32 @!p0 $0x108  }
0x21: {  	s3 =	sadd.s32 s3, s9;
	s6 =	sadd.s32 @!p0 $0x88, s6;
	s7 =	simm.s32 @p2 $0x1082  }
0x22: {  	[simem:s7], [sflag:s8] =	dma.local @!p0 [hbm:s6], $0xF7A  }
0x23: {  	s9 =	sor.u32 $0xD0000000, s2;
	s6 =	simm.s32 $0x108;
	_ =	swait.ge @!p0 [sflag:s8], $0x0  }
0x24: {  	s3 =	sadd.s32 $0x88, s3;
	s6 =	simm.s32 @!p1 $0x1082;
	[sflag:s4] =	ssyncset.s32 $0xFFFFF086  }
0x25: {  	[simem:s6], [sflag:s4] =	dma.local [hbm:s3], $0xF7A  }
0x26: {  	[smem:$0x3F9F] =	sst s1;
	(tag) =	ssettag s2;
	_ =	strace s9  }
0x27: {  	s1 =	sld [smem:$0x3FAF]  }
0x28: {  	s2 =	sld [smem:$0x3FB0]  }
0x29: {  	s4 =	sld [smem:$0x3FB2]  }
0x2a: {  	p0 =	seq.s32 s5, $0x0;
	s5 =	sld [smem:$0x3FB3]  }
0x2b: {  	s6 =	sld [smem:$0x3FB4]  }
0x2c: {  	s7 =	sld [smem:$0x3FB5]  }
0x2d: {  	s3 =	simm.s32 $0x108;
	s8 =	sld [smem:$0x3FB6]  }
0x2e: {  	s3 =	simm.s32 @!p0 $0x1082;
	s9 =	sld [smem:$0x3FB7]  }
0x2f: {  	lr =	sadd.s32 s0, s3;
	s0 =	sld [smem:$0x3FAE]  }
0x30: {  	s3 =	sld [smem:$0x3FB1]  }
0x31: {  	[smem:$0x3FBA] =	sst s10  }
0x32: {  	s10 =	sld [smem:$0x3FB8];
	_ =	sdelay $0x3  }
0x33: {  	p0 =	seq.s32 s10, $0x1;
	s10 =	sld [smem:$0x3FBA];
	_ =	sdelay $0x3  }
0x34: {  	[smem:$0x3FBA] =	sst s10  }
0x35: {  	s10 =	sld [smem:$0x3FB9];
	_ =	sdelay $0x3  }
0x36: {  	p1 =	seq.s32 s10, $0x1;
	s10 =	sld [smem:$0x3FBA];
	_ =	sdelay $0x3  }
0x37: {  	[smem:$0x3FBA] =	sst s10  }
0x38: {  	s10 =	sld [smem:$0x3FBB]  }
0x39: {  	_ = 	snop;
	(pc) =	sbr.ind lr, $3  }
0x3a: {  	_ = 	snop  }
0x3b: {  	_ = 	snop  }
0x3c: {  	p2 =	seq.s32 s10, $0x1;
	s10 =	sld [smem:$0x3FBA]  }
0x3d: {  	_ =	shalt  }
0x3e: {  	_ =	shalt  }
0x3f: {  	_ =	shalt  }
0x40: {  	_ =	shalt  }
0x41: {  	_ =	shalt  }
0x42: {  	_ =	shalt  }
0x43: {  	_ =	shalt  }
0x44: {  	_ =	shalt  }
0x45: {  	_ =	shalt  }
0x46: {  	_ =	shalt  }
0x47: {  	_ =	shalt  }
0x48: {  	_ =	shalt  }
0x49: {  	_ =	shalt  }
0x4a: {  	_ =	shalt  }
0x4b: {  	_ =	shalt  }
0x4c: {  	_ =	shalt  }
0x4d: {  	_ =	shalt  }
0x4e: {  	_ =	shalt  }
0x4f: {  	_ =	shalt  }
0x50: {  	_ =	shalt  }
0x51: {  	_ =	shalt  }
0x52: {  	_ =	shalt  }
0x53: {  	_ =	shalt  }
0x54: {  	_ =	shalt  }
0x55: {  	_ =	shalt  }
0x56: {  	_ =	shalt  }
0x57: {  	_ =	shalt  }
0x58: {  	_ =	shalt  }
0x59: {  	_ =	shalt  }
0x5a: {  	_ =	shalt  }
0x5b: {  	_ =	shalt  }
0x5c: {  	_ =	shalt  }
0x5d: {  	_ =	shalt  }
0x5e: {  	_ =	shalt  }
0x5f: {  	_ =	shalt  }
0x60: {  	_ =	shalt  }
0x61: {  	_ =	shalt  }
0x62: {  	_ =	shalt  }
0x63: {  	_ =	shalt  }
0x64: {  	_ =	shalt  }
0x65: {  	_ =	shalt  }
0x66: {  	_ =	shalt  }
0x67: {  	_ =	shalt  }
0x68: {  	_ =	shalt  }
0x69: {  	_ =	shalt  }
0x6a: {  	_ =	shalt  }
0x6b: {  	_ =	shalt  }
0x6c: {  	_ =	shalt  }
0x6d: {  	_ =	shalt  }
0x6e: {  	_ =	shalt  }
0x6f: {  	_ =	shalt  }
0x70: {  	_ =	shalt  }
0x71: {  	_ =	shalt  }
0x72: {  	_ =	shalt  }
0x73: {  	_ =	shalt  }
0x74: {  	_ =	shalt  }
0x75: {  	_ =	shalt  }
0x76: {  	_ =	shalt  }
0x77: {  	_ =	shalt  }
0x78: {  	_ =	shalt  }
0x79: {  	_ =	shalt  }
0x7a: {  	_ =	shalt  }
0x7b: {  	_ =	shalt  }
0x7c: {  	_ =	shalt  }
0x7d: {  	_ =	shalt  }
0x7e: {  	_ =	shalt  }
0x7f: {  	_ =	shalt  }
0x80: {  	_ =	shalt  }
0x81: {  	_ =	shalt  }
0x82: {  	_ =	shalt  }
0x83: {  	_ =	shalt  }
0x84: {  	_ =	shalt  }
0x85: {  	_ =	shalt  }
0x86: {  	_ =	shalt  }
0x87: {  	_ =	shalt  }
.Lfunc_end0:
.L_simem_size_0:
called_computation_lowered:
.L_overlay_start_0:
0x88: {  	s2 =	sld [smem:$0x3FD9]  }
0x89: {  	s3 =	sld [smem:$0x3FFE];
	_ =	sdelay $0x1  }
0x8a: {  	s1 =	srdreg.scid  }
0x8b: {  	s0 =	sand.u32 $0x1, s1  }
0x8c: {  	s17 =	sshll.u32 s0, $0xA;
	s2 =	sadd.s32 s3, s2  }
0x8d: {  	s2 =	sadd.s32 s2, s17  }
0x8e: {  	[smem:$0x3FC6] =	sst s2  }
0x8f: {  	_ = 	snop  }
0x90: {  	s2 =	sld [smem:$0x3FC8]  }
0x91: {  	s18 =	sld [smem:$0x3FD0];
	(tm) =	ssettm $0x1  }
0x92: {  	s4 =	sld [smem:$0x3FFB];
	_ =	sdelay $0x3  }
0x93: {  	_ =	strace s4  }
0x94: {  	s4 =	sld [smem:$0x3FFC];
	_ =	sdelay $0x3  }
0x95: {  	_ =	strace s4  }
0x96: {  	s4 =	sld [smem:$0x3FFD];
	_ =	sdelay $0x3  }
0x97: {  	_ =	strace s4  }
0x98: {  	_ =	strace $0x8FFFFFFF  }
0x99: {  	s19 =	sld [smem:$0x3FDB];
	_ =	sdelay $0x1  }
0x9a: {  	s5 =	simm.s32 $_scs_section_size  }
0x9b: {  	s6 =	simm.s32 $_size__tile_overlayer_lowered;
	s7 =	simm.s32 $_tile_overlayer_lowered  }
0x9c: {  	s22 =	simm.s32 $0x1BFF;
	s21 =	sshll.u32 s7, $0x1;
	s4 =	sadd.s32 s5, s19  }
0x9d: {  	s8 =	simm.s32 $0x0;
	s20 =	sshll.u32 s6, $0x1;
	s6 =	sadd.s32 s21, s4  }
0x9e: {  	[timem:s8], [sflag:s22] =	dma.local [hbm:s6], s20  }
0x9f: {  	_ =	swait.ge [sflag:s22], s20  }
0xa0: {  	s5 =	ssub.s32 $0x0, s20;
	[sflag:s22] =	ssyncset.done $0x0  }
0xa1: {  	[sflag:s22] =	ssyncadd.s32 s5;
	_ =	sdelay $0x1  }
0xa2: {  	s23 =	simm.s32 $0x1B8B  }
0xa3: {  	_ =	swait.ge [sflag:s23], $0x1  }
0xa4: {  	[sflag:s23] =	ssyncset.done $0x0  }
0xa5: {  	s25 =	simm.s32 $0x1B8E;
	s24 =	sld [smem:$0x3FFE];
	[sflag:s23] =	ssyncadd.s32 $0xFFFFFFFF  }
0xa6: {  	s26 =	simm.s32 $execute0_lowered;
	[smem:$0x3FD2] =	sst s25  }
0xa7: {  	s6 =	sshll.u32 s26, $0x1;
	_ =	strace $0x80000046;
	[dreg:$0x1] =	wrdreg $0xFFFFFFFF  }
0xa8: {  	s28 =	simm.s32 $_size_execute0_lowered;
	s4 =	sadd.s32 s4, s6;
	[dreg:$0x0] =	wrdreg $0x0  }
0xa9: {  	s6 =	sshll.u32 s28, $0x1;
	[dreg:$0x2] =	wrdreg s4  }
0xaa: {  	[dreg:$0x3] =	wrdreg s6  }
0xab: {  	[dreg:$0x4] =	wrdreg $0xC0  }
0xac: {  	_ =	task [dreg:s8], $0x5FFFF  }
0xad: {  	[dreg:$0x1] =	wrdreg $0xFFFFFFFF  }
0xae: {  	[dreg:$0x0] =	wrdreg $0x60  }
0xaf: {  	[dreg:$0x2] =	wrdreg s24  }
0xb0: {  	[dreg:$0x3] =	wrdreg s2  }
0xb1: {  	[dreg:$0x4] =	wrdreg s18  }
0xb2: {  	[dreg:$0x5] =	wrdreg $0x9  }
0xb3: {  	_ =	task.clear_ibuf [dreg:s8], $0x6FFFF;
	_ =	strace $0x90000046  }
0xb4: {  	s29 =	simm.s32 $0x9;
	_ =	strace $0x80000048  }
0xb5: {  	_ =	swait.ge [sflag:s29], $0x1  }
0xb6: {  	[sflag:s29] =	ssyncadd.s32 $0xFFFFFFFF  }
0xb7: {  	_ =	strace $0x90000048  }
0xb8: {  	_ =	sfence  }
0xb9: {  	s30 =	sld [smem:$0x0];
	_ =	sdelay $0x2  }
0xba: {  	s31 =	sshll.u32 s1, $0xD;
	s1 =	sshrl.u32 s1, $0x2  }
0xbb: {  	s3 =	sand.u32 $0x4000, s31;
	s1 =	sadd.s32 s1, s30  }
0xbc: {  	s0 =	sor.u32 s3, s0;
	s1 =	sshll.u32 s1, $0x11  }
0xbd: {  	s0 =	sor.u32 s1, s0  }
0xbe: {  	s0 =	sadd.s32 $0x8F2B, s0  }
0xbf: {  	[sflag:s0] =	ssyncadd.remote.s32 $0x1  }
0xc0: {  	_ =	sfence.sel $0xFFFF  }
0xc1: {  	[dreg:$0x0] =	wrdreg $0xFFFFFFFF;
	(pc) =	sbr.abs _section_cstart, $3  }
0xc2: {  	[dreg:$0x1] =	wrdreg $0xFFFFFFFF  }
0xc3: {  	_ =	task.clear_ibuf [dreg:s8], $0x2FFFF;
	_ =	strace $0x9FFFFFFF  }
0xc4: {  	(tm) =	ssettm $0x7FFFFFFF  }
0xc5: {  	_ =	shalt  }
tec
execute0_lowered:
.L_overlay_start_1:
0x0: {  	(tag) =	ssettag $0x1  }
0x1: {  	s4 =	rddreg [dreg:$0x0]  }
0x2: {  	s1 =	rddreg [dreg:$0x1]  }
0x3: {  	s10 =	rddreg [dreg:$0x2];
	s5 =	srdreg.scid  }
0x4: {  	s3 =	simm.s32 $0x0;
	s0 =	stileid.u32;
	s13 =	simm.s32 $0x2000  }
0x5: {  	s14 =	simm.s32 $0x6000;
	s15 =	simm.s32 $0x100;
	s16 =	simm.s32 $0xA000  }
0x6: {  	s17 =	simm.s32 $0x180;
	s18 =	simm.s32 $0xE000;
	s19 =	simm.s32 $0x1  }
0x7: {  	s20 =	simm.s32 $0x5;
	s21 =	simm.s32 $0x2;
	s22 =	simm.s32 $0x6  }
0x8: {  	s23 =	simm.s32 $0x3;
	s24 =	simm.s32 $0x7;
	s25 =	simm.s32 $0x4  }
0x9: {  	s26 =	simm.s32 $0x8;
	s28 =	simm.s32 $0x0;
	s11 =	sand.u32 $0x1, s5  }
0xa: {  	[smem:$0x7FF] =	sst s3;
	s30 =	sshll.u32 s0, $0xE;
	s12 =	sshll.u32 s0, $0x12  }
0xb: {  	s6 =	sshll.u32 s11, $0xD;
	_ =	strace $0x80000047;
	s31 =	ssub.s32 $0x2, s11  }
0xc: {  	s11 =	sshll.u32 s11, $0x11;
	s5 =	sor.u32 s6, s30;
	s8 =	sshrl.u32 s31, $0x1  }
0xd: {  	s7 =	sshrl.u32 s5, $0x3;
	s5 =	sshll.u32 s5, $0x4;
	s6 =	ssub.s32 s31, s8  }
0xe: {  	s4 =	sadd.s32 s7, s4;
	s9 =	sadd.s32 s10, s5;
	s5 =	smax.u32 s6, $0x1  }
0xf: {  	s10 =	sadd.s32 s12, s10;
	s12 =	simm.s32 $0x80;
	s4 =	sadd.s32 $0x400, s4  }
0x10: {  	s6 =	sadd.s32 $0x1E000, s9;
	s7 =	sadd.s32 $0x1E800, s9;
	s8 =	sadd.s32 $0x1F000, s9  }
0x11: {  	s9 =	sadd.s32 $0x1F800, s9;
	s10 =	sadd.s32 s11, s10;
	s11 =	simm.s32 $0x9  }
.LBB2_1:
0x12: {  	[tilespmem:s3], [sflag:$0x9] =	stream.linear.gather [hbm4b:s4+s3], $0x2000, $0x38;
	[tilespmem:$0x12000] =	vst v63  }
0x13: {  	_ =	swait.ge [sflag:s11], $0x2000  }
0x14: {  	[sflag:s11] =	ssyncset.done $0x0  }
0x15: {  	[sflag:s11] =	ssyncadd.s32 $0xFFFFE000  }
0x16: {  	[tilespmem:s13], [sflag:$0x1] =	stream.indirect.gather [hbm4b:s1+s12], $0x80, s3, s12, $0xb8;
	[tilespmem:$0x12000] =	vst v63  }
0x17: {  	_ = 	snop  }
0x18: {  	[tilespmem:s14], [sflag:$0x2] =	stream.indirect.gather [hbm4b:s1+s12], $0x80, s12, s12, $0xb8;
	[tilespmem:$0x12000] =	vst v63  }
0x19: {  	_ = 	snop  }
0x1a: {  	[tilespmem:s16], [sflag:$0x3] =	stream.indirect.gather [hbm4b:s1+s12], $0x80, s15, s12, $0xb8;
	[tilespmem:$0x12000] =	vst v63  }
0x1b: {  	_ = 	snop  }
0x1c: {  	[tilespmem:s18], [sflag:$0x4] =	stream.indirect.gather [hbm4b:s1+s12], $0x80, s17, s12, $0xb8;
	[tilespmem:$0x12000] =	vst v63  }
0x1d: {  	_ =	swait.ge [sflag:s19], $0x4000  }
0x1e: {  	[sflag:s19] =	ssyncset.done $0x0  }
0x1f: {  	s29 =	sadd.s32 $0x0, s10;
	[sflag:s19] =	ssyncadd.s32 $0xFFFFC000  }
0x20: {  	[hbm4b:s29+s3] =	stream.linear.scatter [tilespmem:s13], [sflag:$0x5], $0x4000, $0x38;
	[tilespmem:$0x12000] =	vst v63  }
0x21: {  	_ =	swait.ge [sflag:s20], $0x4000  }
0x22: {  	[sflag:s20] =	ssyncset.done $0x0  }
0x23: {  	s30 =	simm.s32 $0x200;
	[sflag:s20] =	ssyncadd.s32 $0xFFFFC000  }
0x24: {  	[tilespmem:s13], [sflag:$0x1] =	stream.indirect.gather [hbm4b:s1+s12], $0x80, s30, s12, $0xb8;
	[tilespmem:$0x12000] =	vst v63  }
0x25: {  	_ =	swait.ge [sflag:s21], $0x4000  }
0x26: {  	[sflag:s21] =	ssyncset.done $0x0  }
0x27: {  	s30 =	sadd.s32 $0x800, s29;
	[sflag:s21] =	ssyncadd.s32 $0xFFFFC000  }
0x28: {  	[hbm4b:s30+s3] =	stream.linear.scatter [tilespmem:s14], [sflag:$0x6], $0x4000, $0x38;
	[tilespmem:$0x12000] =	vst v63  }
0x29: {  	_ =	swait.ge [sflag:s22], $0x4000  }
0x2a: {  	[sflag:s22] =	ssyncset.done $0x0  }
0x2b: {  	s30 =	simm.s32 $0x280;
	[sflag:s22] =	ssyncadd.s32 $0xFFFFC000  }
0x2c: {  	[tilespmem:s14], [sflag:$0x2] =	stream.indirect.gather [hbm4b:s1+s12], $0x80, s30, s12, $0xb8;
	[tilespmem:$0x12000] =	vst v63  }
0x2d: {  	_ =	swait.ge [sflag:s23], $0x4000  }
0x2e: {  	[sflag:s23] =	ssyncset.done $0x0  }
0x2f: {  	s30 =	sadd.s32 $0x1000, s29;
	[sflag:s23] =	ssyncadd.s32 $0xFFFFC000  }
0x30: {  	[hbm4b:s30+s3] =	stream.linear.scatter [tilespmem:s16], [sflag:$0x7], $0x4000, $0x38;
	[tilespmem:$0x12000] =	vst v63  }
0x31: {  	_ =	swait.ge [sflag:s24], $0x4000  }
0x32: {  	[sflag:s24] =	ssyncset.done $0x0  }
0x33: {  	s30 =	simm.s32 $0x300;
	[sflag:s24] =	ssyncadd.s32 $0xFFFFC000  }
0x34: {  	[tilespmem:s16], [sflag:$0x3] =	stream.indirect.gather [hbm4b:s1+s12], $0x80, s30, s12, $0xb8;
	[tilespmem:$0x12000] =	vst v63  }
0x35: {  	_ =	swait.ge [sflag:s25], $0x4000  }
0x36: {  	[sflag:s25] =	ssyncset.done $0x0  }
0x37: {  	s29 =	sadd.s32 $0x1800, s29;
	[sflag:s25] =	ssyncadd.s32 $0xFFFFC000  }
0x38: {  	[hbm4b:s29+s3] =	stream.linear.scatter [tilespmem:s18], [sflag:$0x8], $0x4000, $0x38;
	[tilespmem:$0x12000] =	vst v63  }
0x39: {  	_ =	swait.ge [sflag:s26], $0x4000  }
0x3a: {  	s31 =	simm.s32 $0x580;
	[sflag:s26] =	ssyncset.done $0x0  }
0x3b: {  	s30 =	simm.s32 $0x2000;
	s29 =	simm.s32 $0x380;
	[sflag:s26] =	ssyncadd.s32 $0xFFFFC000  }
.LBB2_2:
0x3c: {  	[tilespmem:s18], [sflag:$0x4] =	stream.indirect.gather [hbm4b:s1+s12], $0x80, s29, s12, $0xb8;
	[tilespmem:$0x12000] =	vst v63  }
0x3d: {  	s0 =	smov.u32 s30;
	s29 =	smov.u32 s31  }
0x3e: {  	p0 =	sne.s32 s30, $0x1C000;
	s30 =	sadd.s32 $0x2000, s30;
	_ =	swait.ge [sflag:s19], $0x4000  }
0x3f: {  	[sflag:s19] =	ssyncset.done $0x0  }
0x40: {  	s0 =	sadd.s32 s0, s10;
	[sflag:s19] =	ssyncadd.s32 $0xFFFFC000  }
0x41: {  	[hbm4b:s0+s3] =	stream.linear.scatter [tilespmem:s13], [sflag:$0x5], $0x4000, $0x38;
	[tilespmem:$0x12000] =	vst v63  }
0x42: {  	_ =	swait.ge [sflag:s20], $0x4000  }
0x43: {  	[sflag:s20] =	ssyncset.done $0x0  }
0x44: {  	s2 =	sadd.s32 $0xFFFFFE80, s31;
	[sflag:s20] =	ssyncadd.s32 $0xFFFFC000  }
0x45: {  	[tilespmem:s13], [sflag:$0x1] =	stream.indirect.gather [hbm4b:s1+s12], $0x80, s2, s12, $0xb8;
	[tilespmem:$0x12000] =	vst v63  }
0x46: {  	_ =	swait.ge [sflag:s21], $0x4000  }
0x47: {  	[sflag:s21] =	ssyncset.done $0x0  }
0x48: {  	s2 =	sadd.s32 $0x800, s0;
	[sflag:s21] =	ssyncadd.s32 $0xFFFFC000  }
0x49: {  	[hbm4b:s2+s3] =	stream.linear.scatter [tilespmem:s14], [sflag:$0x6], $0x4000, $0x38;
	[tilespmem:$0x12000] =	vst v63  }
0x4a: {  	_ =	swait.ge [sflag:s22], $0x4000  }
0x4b: {  	[sflag:s22] =	ssyncset.done $0x0  }
0x4c: {  	s2 =	sadd.s32 $0xFFFFFF00, s31;
	[sflag:s22] =	ssyncadd.s32 $0xFFFFC000  }
0x4d: {  	[tilespmem:s14], [sflag:$0x2] =	stream.indirect.gather [hbm4b:s1+s12], $0x80, s2, s12, $0xb8;
	[tilespmem:$0x12000] =	vst v63  }
0x4e: {  	_ =	swait.ge [sflag:s23], $0x4000  }
0x4f: {  	[sflag:s23] =	ssyncset.done $0x0  }
0x50: {  	s2 =	sadd.s32 $0x1000, s0;
	[sflag:s23] =	ssyncadd.s32 $0xFFFFC000  }
0x51: {  	[hbm4b:s2+s3] =	stream.linear.scatter [tilespmem:s16], [sflag:$0x7], $0x4000, $0x38;
	[tilespmem:$0x12000] =	vst v63  }
0x52: {  	_ =	swait.ge [sflag:s24], $0x4000  }
0x53: {  	[sflag:s24] =	ssyncset.done $0x0  }
0x54: {  	s2 =	sadd.s32 $0xFFFFFF80, s31;
	[sflag:s24] =	ssyncadd.s32 $0xFFFFC000  }
0x55: {  	[tilespmem:s16], [sflag:$0x3] =	stream.indirect.gather [hbm4b:s1+s12], $0x80, s2, s12, $0xb8;
	[tilespmem:$0x12000] =	vst v63  }
0x56: {  	_ =	swait.ge [sflag:s25], $0x4000  }
0x57: {  	[sflag:s25] =	ssyncset.done $0x0  }
.Ltmp0:
0x58: {  	s0 =	sadd.s32 $0x1800, s0;
	[sflag:s25] =	ssyncadd.s32 $0xFFFFC000;
	(pc) =	sbr.rel @p0 .LBB2_2-.Ltmp0, $4  }
0x59: {  	[hbm4b:s0+s3] =	stream.linear.scatter [tilespmem:s18], [sflag:$0x8], $0x4000, $0x38;
	[tilespmem:$0x12000] =	vst v63  }
0x5a: {  	_ =	swait.ge [sflag:s26], $0x4000  }
0x5b: {  	[sflag:s26] =	ssyncset.done $0x0  }
0x5c: {  	s31 =	sadd.s32 $0x200, s31;
	[sflag:s26] =	ssyncadd.s32 $0xFFFFC000  }
0x5d: {  	[tilespmem:s18], [sflag:$0x4] =	stream.indirect.gather [hbm4b:s1+s12], $0x80, s29, s12, $0xb8;
	[tilespmem:$0x12000] =	vst v63  }
0x5e: {  	_ =	swait.ge [sflag:s19], $0x4000  }
0x5f: {  	[sflag:s19] =	ssyncset.done $0x0  }
0x60: {  	[sflag:s19] =	ssyncadd.s32 $0xFFFFC000  }
0x61: {  	[hbm4b:s6+s3] =	stream.linear.scatter [tilespmem:s13], [sflag:$0x5], $0x4000, $0x38;
	[tilespmem:$0x12000] =	vst v63  }
0x62: {  	_ =	swait.ge [sflag:s21], $0x4000  }
0x63: {  	[sflag:s21] =	ssyncset.done $0x0  }
0x64: {  	[sflag:s21] =	ssyncadd.s32 $0xFFFFC000  }
0x65: {  	[hbm4b:s7+s3] =	stream.linear.scatter [tilespmem:s14], [sflag:$0x6], $0x4000, $0x38;
	[tilespmem:$0x12000] =	vst v63  }
0x66: {  	_ =	swait.ge [sflag:s23], $0x4000  }
0x67: {  	[sflag:s23] =	ssyncset.done $0x0  }
0x68: {  	[sflag:s23] =	ssyncadd.s32 $0xFFFFC000  }
0x69: {  	[hbm4b:s8+s3] =	stream.linear.scatter [tilespmem:s16], [sflag:$0x7], $0x4000, $0x38;
	[tilespmem:$0x12000] =	vst v63  }
0x6a: {  	_ =	swait.ge [sflag:s25], $0x4000  }
0x6b: {  	[sflag:s25] =	ssyncset.done $0x0  }
0x6c: {  	[sflag:s25] =	ssyncadd.s32 $0xFFFFC000  }
0x6d: {  	[hbm4b:s9+s3] =	stream.linear.scatter [tilespmem:s18], [sflag:$0x8], $0x4000, $0x38;
	[tilespmem:$0x12000] =	vst v63  }
0x6e: {  	_ =	swait.ge [sflag:s20], $0x4000  }
0x6f: {  	[sflag:s20] =	ssyncset.done $0x0  }
0x70: {  	[sflag:s20] =	ssyncadd.s32 $0xFFFFC000  }
0x71: {  	_ =	swait.ge [sflag:s22], $0x4000  }
0x72: {  	[sflag:s22] =	ssyncset.done $0x0  }
0x73: {  	s28 =	sadd.s32 $0x1, s28;
	[sflag:s22] =	ssyncadd.s32 $0xFFFFC000  }
0x74: {  	p0 =	sne.s32 s28, s5;
	_ =	swait.ge [sflag:s24], $0x4000  }
.Ltmp1:
0x75: {  	[sflag:s24] =	ssyncset.done $0x0;
	(pc) =	sbr.rel @p0 .LBB2_1-.Ltmp1, $4  }
0x76: {  	[sflag:s24] =	ssyncadd.s32 $0xFFFFC000  }
0x77: {  	_ =	swait.ge [sflag:s26], $0x4000  }
0x78: {  	[sflag:s26] =	ssyncset.done $0x0  }
0x79: {  	[sflag:s26] =	ssyncadd.s32 $0xFFFFC000  }
0x7a: {  	_ =	sfence.sel $0x180000  }
0x7b: {  	[bflag:$0x0] =	sbarrier.arrive $0xFFFF  }
0x7c: {  	_ =	strace $0x90000047  }
0x7d: {  	s0 =	stileid.u32;
	[bflag:$0x2] =	sbarrier.arrive $0xFFFF  }
0x7e: {  	p0 =	sne.s32 s0, $0x0;
	s0 =	rddreg [dreg:$0x3]  }
0x7f: {  	s0 =	sadd.s32 @!p0 $0x100000, s0  }
0x80: {  	[sflag:s0] =	ssyncadd.tile.s32 @!p0 $0x1;
	_ =	shalt  }
.Lfunc_end2:
_tile_overlayer_lowered:
.L_overlay_start_2:
0x81: {  	(tag) =	ssettag $0x2  }
0x82: {  	s0 =	rddreg [dreg:$0x0];
	s2 =	stileid.u32  }
0x83: {  	s1 =	rddreg [dreg:$0x1];
	p0 =	sne.s32 s2, $0x0  }
0x84: {  	s3 =	rddreg [dreg:$0x2];
	[bflag:$0x3] =	sbarrier.arrive $0xFFFF;
	s2 =	simm.s32 @!p0 $0x1C09  }
0x85: {  	[timem:s3], [sflag:s2] =	dma.local @!p0 [hbm:s0], s1  }
0x86: {  	s0 =	simm.s32 @!p0 $0x9  }
0x87: {  	_ =	swait.ge @!p0 [sflag:s0], s1  }
0x88: {  	s1 =	ssub.s32 @!p0 $0x0, s1;
	[sflag:s0] =	ssyncset.done @!p0 $0x0  }
0x89: {  	[sflag:s0] =	ssyncadd.s32 @!p0 s1  }
0x8a: {  	[bflag:$0x3] =	sbarrier.arrive $0xFFFF  }
0x8b: {  	_ =	shalt  }

</sc_bundles>
